<compile_context>
chip_gen: v7x
topology: tpu7x:2x2x1
jax: 0.10.2.dev20260603
libtpu: 0.0.44.dev20260713+nightly
codegen_flags: <defaults>
</compile_context>

<pallas_src>
import dataclasses
import functools

import jax
import jax.numpy as jnp
from jax import lax
from jax.experimental import pallas as pl
from jax.experimental.pallas import tpu as pltpu
from jax.experimental.pallas import tpu_sc as plsc

_NC = 2
_NS = 16
_NW = _NC * _NS
_L = 16


def _node_score_body(h_ref, w_ref, b_ref, p_ref):
    x = h_ref[...]
    R, D = x.shape
    su = jnp.sum(x * w_ref[:, :D], axis=1) + b_ref[0]
    sv = jnp.sum(x * w_ref[:, D:], axis=1)
    p_ref[0] = su.reshape(R // 128, 128)
    p_ref[1] = sv.reshape(R // 128, 128)


@functools.lru_cache(maxsize=None)
def _node_score_call(N, D, R):
    G = pl.cdiv(N, R)
    NP = G * R // 128
    return pl.pallas_call(
        _node_score_body,
        grid=(G,),
        in_specs=[
            pl.BlockSpec((R, D), lambda i: (i, 0)),
            pl.BlockSpec((1, 2 * D), lambda i: (0, 0)),
            pl.BlockSpec(memory_space=pltpu.SMEM),
        ],
        out_specs=pl.BlockSpec((2, R // 128, 128), lambda i: (0, i, 0)),
        out_shape=jax.ShapeDtypeStruct((2, NP, 128), jnp.float32),
    )


@functools.lru_cache(maxsize=None)
def _edge_score_call(E, NP):
    CH = 128 * ((E // _NW + 127) // 128)
    assert CH % 64 == 0 and (E - CH) % 128 == 0 and E >= CH
    mesh = plsc.VectorSubcoreMesh(core_axis_name="c", subcore_axis_name="s")
    cp = pltpu.CompilerParams()
    if "needs_layout_passes" in pltpu.CompilerParams.__dataclass_fields__:
        cp = dataclasses.replace(cp, needs_layout_passes=False)

    @functools.partial(
        pl.kernel,
        compiler_params=cp,
        out_type=jax.ShapeDtypeStruct((E,), jnp.float32),
        mesh=mesh,
        scratch_types=[
            pltpu.VMEM((2, CH), jnp.int32),
            pltpu.VMEM((2, NP, 128), jnp.float32),
            pltpu.VMEM((CH,), jnp.float32),
            pltpu.SemaphoreType.DMA,
        ],
    )
    def edge_kernel(p_hbm, ei_hbm, out_hbm, ei_v, p_v, out_v, sem):
        wid = lax.axis_index("s") * _NC + lax.axis_index("c")
        base = jnp.minimum(wid * CH, E - CH)

        H = 128 * ((CH // 2) // 128)
        H2 = CH - H
        c1 = pltpu.async_copy(p_hbm, p_v, sem)
        c2a = pltpu.async_copy(
            ei_hbm.at[:, pl.ds(base, H)], ei_v.at[:, pl.ds(0, H)], sem)
        c2b = pltpu.async_copy(
            ei_hbm.at[:, pl.ds(base + H, H2)], ei_v.at[:, pl.ds(H, H2)], sem)
        c1.wait()
        c2a.wait()

        zero = jnp.zeros((_L,), jnp.int32)
        one = jnp.ones((_L,), jnp.int32)
        mask = jnp.full((_L,), 127, jnp.int32)

        def body(o):
            s = ei_v[0, pl.ds(o, _L)]
            d = ei_v[1, pl.ds(o, _L)]
            gu = plsc.load_gather(
                p_v, [zero, lax.shift_right_logical(s, 7), s & mask])
            gv = plsc.load_gather(
                p_v, [one, lax.shift_right_logical(d, 7), d & mask])
            out_v[pl.ds(o, _L)] = gu + gv

        plsc.parallel_loop(0, H, step=_L, unroll=4)(body)
        co = pltpu.async_copy(
            out_v.at[pl.ds(0, H)], out_hbm.at[pl.ds(base, H)], sem)
        c2b.wait()
        plsc.parallel_loop(H, CH, step=_L, unroll=4)(body)
        co.wait()
        pltpu.sync_copy(
            out_v.at[pl.ds(H, H2)], out_hbm.at[pl.ds(base + H, H2)])

    return edge_kernel


def kernel(h, edge_index, W, b):
    N, D = h.shape
    E = edge_index.shape[1]
    p = _node_score_call(N, D, 2048)(h, W, b)
    score = _edge_score_call(E, p.shape[1])(p, edge_index)
    return score.reshape(E, 1)

# --- scband reference (transcript-rebuilt; emitter-appended) ---
"""Pipeline reference for scband-mlppredictor-3985729651445 (READ-ONLY COPY).

The authoritative reference and input builder live on the scoring server;
editing this copy changes nothing except your own understanding.
"""

import jax, jax.numpy as jnp
import numpy as np

N_NODES = 10000
N_EDGES = 320000
D_FEAT = 128
OUT_CLASSES = 1


def setup_inputs(seed: int = 0) -> dict:
    key = jax.random.key(seed)
    k1, k2, k3, k4 = jax.random.split(key, 4)
    h = jax.random.normal(k1, (N_NODES, D_FEAT), dtype=jnp.float32)
    edge_index = jax.random.randint(k2, (2, N_EDGES), 0, N_NODES, dtype=jnp.int32)
    # nn.Linear(in_features*2, out_classes): weight [out, 2*in], bias [out]
    bound = 1.0 / np.sqrt(2 * D_FEAT)
    W = jax.random.uniform(k3, (OUT_CLASSES, 2 * D_FEAT), dtype=jnp.float32, minval=-bound, maxval=bound)
    b = jax.random.uniform(k4, (OUT_CLASSES,), dtype=jnp.float32, minval=-bound, maxval=bound)
    return {"h": h, "edge_index": edge_index, "W": W, "b": b}


def reference(h, edge_index, W, b):
    # DGL apply_edges: per-edge gather of src/dst node features, concat, linear
    src = edge_index[0]
    dst = edge_index[1]
    h_u = jnp.take(h, src, axis=0)   # [E, d]
    h_v = jnp.take(h, dst, axis=0)   # [E, d]
    v = jnp.concatenate([h_u, h_v], axis=1)  # [E, 2d]
    score = v @ W.T + b              # [E, out_classes]
    return score

if __name__ == "__main__":
    import jax
    _d = setup_inputs()
    print(jax.jit(kernel)(*tuple(_d.values())))

</pallas_src>

<mosaic_0001>
#map = affine_map<(d0, d1) -> (0, 0, 0)>
#map1 = affine_map<(d0, d1) -> (0, 0)>
#map2 = affine_map<(d0, d1) -> (0)>
module attributes {stable_mosaic.version = 14 : i64} {
  func.func @edge_kernel(%arg0: i32, %arg1: i32, %arg2: memref<2x80x128xf32, #tpu.memory_space<hbm>>, %arg3: memref<2x320000xi32, #tpu.memory_space<hbm>>, %arg4: memref<320000xf32, #tpu.memory_space<hbm>>, %arg5: memref<2x10112xi32, #tpu.memory_space<vmem>>, %arg6: memref<2x80x128xf32, #tpu.memory_space<vmem>>, %arg7: memref<10112xf32, #tpu.memory_space<vmem>>, %arg8: memref<!tpu.dma_semaphore, #tpu.memory_space<semaphore_mem>>) attributes {dimension_semantics = [#tpu.dimension_semantics<core_parallel>, #tpu.dimension_semantics<subcore_parallel>], iteration_bounds = array<i64: 2, 16>, scalar_prefetch = 0 : i64, scratch_operands = 4 : i64, tpu.core_type = #tpu.core_type<sc_vector_subcore>, window_params = [{transform_indices = #map}, {transform_indices = #map1}, {transform_indices = #map2}]} {
    %mul3A = arith.constant 2 : i32
    %mul3A_0 = arith.muli %arg1, %mul3A : i32
    %add3A = arith.addi %mul3A_0, %arg0 : i32
    %mul3A_1 = arith.constant 10112 : i32
    %mul3A_2 = arith.muli %add3A, %mul3A_1 : i32
    %min3A = arith.constant 309888 : i32
    %min3A_3 = arith.minsi %mul3A_2, %min3A : i32
    tpu.enqueue_dma source(%arg2 : memref<2x80x128xf32, #tpu.memory_space<hbm>>) target(%arg6 : memref<2x80x128xf32, #tpu.memory_space<vmem>>) target_semaphore(%arg8 : memref<!tpu.dma_semaphore, #tpu.memory_space<semaphore_mem>>)
    %dma_start3A = arith.constant 0 : i32
    %dma_start3A_4 = arith.constant 0 : i32
    %dma_start3A_5 = tpu.memref_slice %arg5[%dma_start3A, %dma_start3A_4] : memref<2x10112xi32, #tpu.memory_space<vmem>> -> memref<2x4992xi32, #tpu.memory_space<vmem>>
    %dma_start3A_6 = arith.constant 0 : i32
    %dma_start3A_7 = tpu.memref_slice %arg3[%dma_start3A_6, %min3A_3] : memref<2x320000xi32, #tpu.memory_space<hbm>> -> memref<2x4992xi32, #tpu.memory_space<hbm>>
    %dma_start3A_8 = arith.constant 0 : i32
    %dma_start3A_9 = arith.constant 0 : i32
    %dma_start3A_10 = tpu.memref_slice %arg5[%dma_start3A_8, %dma_start3A_9] : memref<2x10112xi32, #tpu.memory_space<vmem>> -> memref<2x4992xi32, #tpu.memory_space<vmem>>
    %dma_start3A_11 = arith.constant 0 : i32
    %dma_start3A_12 = tpu.memref_slice %arg3[%dma_start3A_11, %min3A_3] : memref<2x320000xi32, #tpu.memory_space<hbm>> -> memref<2x4992xi32, #tpu.memory_space<hbm>>
    tpu.enqueue_dma source(%dma_start3A_12 : memref<2x4992xi32, #tpu.memory_space<hbm>>) target(%dma_start3A_10 : memref<2x4992xi32, #tpu.memory_space<vmem>>) target_semaphore(%arg8 : memref<!tpu.dma_semaphore, #tpu.memory_space<semaphore_mem>>)
    %add3A_13 = arith.constant 4992 : i32
    %add3A_14 = arith.addi %min3A_3, %add3A_13 : i32
    %dma_start3A_15 = arith.constant 0 : i32
    %dma_start3A_16 = arith.constant 4992 : i32
    %dma_start3A_17 = tpu.memref_slice %arg5[%dma_start3A_15, %dma_start3A_16] : memref<2x10112xi32, #tpu.memory_space<vmem>> -> memref<2x5120xi32, #tpu.memory_space<vmem>>
    %dma_start3A_18 = arith.constant 0 : i32
    %dma_start3A_19 = tpu.memref_slice %arg3[%dma_start3A_18, %add3A_14] : memref<2x320000xi32, #tpu.memory_space<hbm>> -> memref<2x5120xi32, #tpu.memory_space<hbm>>
    %dma_start3A_20 = arith.constant 0 : i32
    %dma_start3A_21 = arith.constant 4992 : i32
    %dma_start3A_22 = tpu.memref_slice %arg5[%dma_start3A_20, %dma_start3A_21] : memref<2x10112xi32, #tpu.memory_space<vmem>> -> memref<2x5120xi32, #tpu.memory_space<vmem>>
    %dma_start3A_23 = arith.constant 0 : i32
    %dma_start3A_24 = tpu.memref_slice %arg3[%dma_start3A_23, %add3A_14] : memref<2x320000xi32, #tpu.memory_space<hbm>> -> memref<2x5120xi32, #tpu.memory_space<hbm>>
    tpu.enqueue_dma source(%dma_start3A_24 : memref<2x5120xi32, #tpu.memory_space<hbm>>) target(%dma_start3A_22 : memref<2x5120xi32, #tpu.memory_space<vmem>>) target_semaphore(%arg8 : memref<!tpu.dma_semaphore, #tpu.memory_space<semaphore_mem>>)
    tpu.wait_dma2 semaphore(%arg8 : memref<!tpu.dma_semaphore, #tpu.memory_space<semaphore_mem>>) src(%arg2 : memref<2x80x128xf32, #tpu.memory_space<hbm>>) dst(%arg6 : memref<2x80x128xf32, #tpu.memory_space<vmem>>)
    %dma_wait3A = arith.constant 0 : i32
    %dma_wait3A_25 = arith.constant 0 : i32
    %dma_wait3A_26 = tpu.memref_slice %arg5[%dma_wait3A, %dma_wait3A_25] : memref<2x10112xi32, #tpu.memory_space<vmem>> -> memref<2x4992xi32, #tpu.memory_space<vmem>>
    %dma_wait3A_27 = arith.constant 0 : i32
    %dma_wait3A_28 = tpu.memref_slice %arg3[%dma_wait3A_27, %min3A_3] : memref<2x320000xi32, #tpu.memory_space<hbm>> -> memref<2x4992xi32, #tpu.memory_space<hbm>>
    %dma_wait3A_29 = arith.constant 0 : i32
    %dma_wait3A_30 = arith.constant 0 : i32
    %dma_wait3A_31 = tpu.memref_slice %arg5[%dma_wait3A_29, %dma_wait3A_30] : memref<2x10112xi32, #tpu.memory_space<vmem>> -> memref<2x4992xi32, #tpu.memory_space<vmem>>
    %dma_wait3A_32 = arith.constant 0 : i32
    %dma_wait3A_33 = tpu.memref_slice %arg3[%dma_wait3A_32, %min3A_3] : memref<2x320000xi32, #tpu.memory_space<hbm>> -> memref<2x4992xi32, #tpu.memory_space<hbm>>
    tpu.wait_dma2 semaphore(%arg8 : memref<!tpu.dma_semaphore, #tpu.memory_space<semaphore_mem>>) src(%dma_wait3A_33 : memref<2x4992xi32, #tpu.memory_space<hbm>>) dst(%dma_wait3A_31 : memref<2x4992xi32, #tpu.memory_space<vmem>>)
    %broadcast_in_dim3A = arith.constant 0 : i32
    %broadcast_in_dim3A_34 = vector.broadcast %broadcast_in_dim3A : i32 to vector<16xi32>
    %broadcast_in_dim3A_35 = arith.constant 1 : i32
    %broadcast_in_dim3A_36 = vector.broadcast %broadcast_in_dim3A_35 : i32 to vector<16xi32>
    %broadcast_in_dim3A_37 = arith.constant 127 : i32
    %broadcast_in_dim3A_38 = vector.broadcast %broadcast_in_dim3A_37 : i32 to vector<16xi32>
    %parallel_loop3A = arith.constant 0 : i32
    %parallel_loop3A_39 = arith.constant 4992 : i32
    %parallel_loop3A_40 = arith.constant 16 : i32
    scf.for %parallel_loop3A_68 = %parallel_loop3A to %parallel_loop3A_39 step %parallel_loop3A_40  : i32 {
      %parallel_loop3A_69 = arith.constant 0 : i32
      %parallel_loop3A_70 = arith.index_cast %parallel_loop3A_69 : i32 to index
      %parallel_loop3A_71 = arith.index_cast %parallel_loop3A_68 : i32 to index
      %parallel_loop3A_72 = tpu.vector_load %arg5[%parallel_loop3A_70, %parallel_loop3A_71] {strides = array<i32>} : memref<2x10112xi32, #tpu.memory_space<vmem>>, vector<16xi32>,
      %parallel_loop3A_73 = arith.constant 1 : i32
      %parallel_loop3A_74 = arith.index_cast %parallel_loop3A_73 : i32 to index
      %parallel_loop3A_75 = arith.index_cast %parallel_loop3A_68 : i32 to index
      %parallel_loop3A_76 = tpu.vector_load %arg5[%parallel_loop3A_74, %parallel_loop3A_75] {strides = array<i32>} : memref<2x10112xi32, #tpu.memory_space<vmem>>, vector<16xi32>,
      %parallel_loop3A_77 = arith.constant 7 : i32
      %parallel_loop3A_78 = vector.broadcast %parallel_loop3A_77 : i32 to vector<16xi32>
      %parallel_loop3A_79 = arith.shrui %parallel_loop3A_72, %parallel_loop3A_78 : vector<16xi32>
      %parallel_loop3A_80 = arith.andi %parallel_loop3A_72, %broadcast_in_dim3A_38 : vector<16xi32>
      %parallel_loop3A_81 = tpu.vector_load_idx %arg6[%broadcast_in_dim3A_34, %parallel_loop3A_79, %parallel_loop3A_80] : memref<2x80x128xf32, #tpu.memory_space<vmem>>[vector<16xi32>, vector<16xi32>, vector<16xi32>], vector<16xf32>,
      %parallel_loop3A_82 = arith.constant 7 : i32
      %parallel_loop3A_83 = vector.broadcast %parallel_loop3A_82 : i32 to vector<16xi32>
      %parallel_loop3A_84 = arith.shrui %parallel_loop3A_76, %parallel_loop3A_83 : vector<16xi32>
      %parallel_loop3A_85 = arith.andi %parallel_loop3A_76, %broadcast_in_dim3A_38 : vector<16xi32>
      %parallel_loop3A_86 = tpu.vector_load_idx %arg6[%broadcast_in_dim3A_36, %parallel_loop3A_84, %parallel_loop3A_85] : memref<2x80x128xf32, #tpu.memory_space<vmem>>[vector<16xi32>, vector<16xi32>, vector<16xi32>], vector<16xf32>,
      %parallel_loop3A_87 = arith.addf %parallel_loop3A_81, %parallel_loop3A_86 : vector<16xf32>
      %parallel_loop3A_88 = arith.index_cast %parallel_loop3A_68 : i32 to index
      %parallel_loop3A_89 = tpu.vector_load %arg7[%parallel_loop3A_88] {strides = array<i32>} : memref<10112xf32, #tpu.memory_space<vmem>>, vector<16xf32>,
      tpu.vector_store %arg7[%parallel_loop3A_88], %parallel_loop3A_87 {strides = array<i32>} : memref<10112xf32, #tpu.memory_space<vmem>>, vector<16xf32>,
    } {sc.loop_unroll_factor = 4 : i64, sc.parallel_access}
    %dma_start3A_41 = arith.constant 0 : i32
    %dma_start3A_42 = tpu.memref_slice %arg7[%dma_start3A_41] : memref<10112xf32, #tpu.memory_space<vmem>> -> memref<4992xf32, #tpu.memory_space<vmem>>
    %dma_start3A_43 = tpu.memref_slice %arg4[%min3A_3] : memref<320000xf32, #tpu.memory_space<hbm>> -> memref<4992xf32, #tpu.memory_space<hbm>>
    %dma_start3A_44 = tpu.memref_slice %arg4[%min3A_3] : memref<320000xf32, #tpu.memory_space<hbm>> -> memref<4992xf32, #tpu.memory_space<hbm>>
    %dma_start3A_45 = arith.constant 0 : i32
    %dma_start3A_46 = tpu.memref_slice %arg7[%dma_start3A_45] : memref<10112xf32, #tpu.memory_space<vmem>> -> memref<4992xf32, #tpu.memory_space<vmem>>
    tpu.enqueue_dma source(%dma_start3A_46 : memref<4992xf32, #tpu.memory_space<vmem>>) target(%dma_start3A_44 : memref<4992xf32, #tpu.memory_space<hbm>>) target_semaphore(%arg8 : memref<!tpu.dma_semaphore, #tpu.memory_space<semaphore_mem>>)
    %dma_wait3A_47 = arith.constant 0 : i32
    %dma_wait3A_48 = arith.constant 4992 : i32
    %dma_wait3A_49 = tpu.memref_slice %arg5[%dma_wait3A_47, %dma_wait3A_48] : memref<2x10112xi32, #tpu.memory_space<vmem>> -> memref<2x5120xi32, #tpu.memory_space<vmem>>
    %dma_wait3A_50 = arith.constant 0 : i32
    %dma_wait3A_51 = tpu.memref_slice %arg3[%dma_wait3A_50, %add3A_14] : memref<2x320000xi32, #tpu.memory_space<hbm>> -> memref<2x5120xi32, #tpu.memory_space<hbm>>
    %dma_wait3A_52 = arith.constant 0 : i32
    %dma_wait3A_53 = arith.constant 4992 : i32
    %dma_wait3A_54 = tpu.memref_slice %arg5[%dma_wait3A_52, %dma_wait3A_53] : memref<2x10112xi32, #tpu.memory_space<vmem>> -> memref<2x5120xi32, #tpu.memory_space<vmem>>
    %dma_wait3A_55 = arith.constant 0 : i32
    %dma_wait3A_56 = tpu.memref_slice %arg3[%dma_wait3A_55, %add3A_14] : memref<2x320000xi32, #tpu.memory_space<hbm>> -> memref<2x5120xi32, #tpu.memory_space<hbm>>
    tpu.wait_dma2 semaphore(%arg8 : memref<!tpu.dma_semaphore, #tpu.memory_space<semaphore_mem>>) src(%dma_wait3A_56 : memref<2x5120xi32, #tpu.memory_space<hbm>>) dst(%dma_wait3A_54 : memref<2x5120xi32, #tpu.memory_space<vmem>>)
    %parallel_loop3A_57 = arith.constant 4992 : i32
    %parallel_loop3A_58 = arith.constant 10112 : i32
    %parallel_loop3A_59 = arith.constant 16 : i32
    scf.for %parallel_loop3A_68 = %parallel_loop3A_57 to %parallel_loop3A_58 step %parallel_loop3A_59  : i32 {
      %parallel_loop3A_69 = arith.constant 0 : i32
      %parallel_loop3A_70 = arith.index_cast %parallel_loop3A_69 : i32 to index
      %parallel_loop3A_71 = arith.index_cast %parallel_loop3A_68 : i32 to index
      %parallel_loop3A_72 = tpu.vector_load %arg5[%parallel_loop3A_70, %parallel_loop3A_71] {strides = array<i32>} : memref<2x10112xi32, #tpu.memory_space<vmem>>, vector<16xi32>,
      %parallel_loop3A_73 = arith.constant 1 : i32
      %parallel_loop3A_74 = arith.index_cast %parallel_loop3A_73 : i32 to index
      %parallel_loop3A_75 = arith.index_cast %parallel_loop3A_68 : i32 to index
      %parallel_loop3A_76 = tpu.vector_load %arg5[%parallel_loop3A_74, %parallel_loop3A_75] {strides = array<i32>} : memref<2x10112xi32, #tpu.memory_space<vmem>>, vector<16xi32>,
      %parallel_loop3A_77 = arith.constant 7 : i32
      %parallel_loop3A_78 = vector.broadcast %parallel_loop3A_77 : i32 to vector<16xi32>
      %parallel_loop3A_79 = arith.shrui %parallel_loop3A_72, %parallel_loop3A_78 : vector<16xi32>
      %parallel_loop3A_80 = arith.andi %parallel_loop3A_72, %broadcast_in_dim3A_38 : vector<16xi32>
      %parallel_loop3A_81 = tpu.vector_load_idx %arg6[%broadcast_in_dim3A_34, %parallel_loop3A_79, %parallel_loop3A_80] : memref<2x80x128xf32, #tpu.memory_space<vmem>>[vector<16xi32>, vector<16xi32>, vector<16xi32>], vector<16xf32>,
      %parallel_loop3A_82 = arith.constant 7 : i32
      %parallel_loop3A_83 = vector.broadcast %parallel_loop3A_82 : i32 to vector<16xi32>
      %parallel_loop3A_84 = arith.shrui %parallel_loop3A_76, %parallel_loop3A_83 : vector<16xi32>
      %parallel_loop3A_85 = arith.andi %parallel_loop3A_76, %broadcast_in_dim3A_38 : vector<16xi32>
      %parallel_loop3A_86 = tpu.vector_load_idx %arg6[%broadcast_in_dim3A_36, %parallel_loop3A_84, %parallel_loop3A_85] : memref<2x80x128xf32, #tpu.memory_space<vmem>>[vector<16xi32>, vector<16xi32>, vector<16xi32>], vector<16xf32>,
      %parallel_loop3A_87 = arith.addf %parallel_loop3A_81, %parallel_loop3A_86 : vector<16xf32>
      %parallel_loop3A_88 = arith.index_cast %parallel_loop3A_68 : i32 to index
      %parallel_loop3A_89 = tpu.vector_load %arg7[%parallel_loop3A_88] {strides = array<i32>} : memref<10112xf32, #tpu.memory_space<vmem>>, vector<16xf32>,
      tpu.vector_store %arg7[%parallel_loop3A_88], %parallel_loop3A_87 {strides = array<i32>} : memref<10112xf32, #tpu.memory_space<vmem>>, vector<16xf32>,
    } {sc.loop_unroll_factor = 4 : i64, sc.parallel_access}
    %dma_wait3A_60 = arith.constant 0 : i32
    %dma_wait3A_61 = tpu.memref_slice %arg7[%dma_wait3A_60] : memref<10112xf32, #tpu.memory_space<vmem>> -> memref<4992xf32, #tpu.memory_space<vmem>>
    %dma_wait3A_62 = tpu.memref_slice %arg4[%min3A_3] : memref<320000xf32, #tpu.memory_space<hbm>> -> memref<4992xf32, #tpu.memory_space<hbm>>
    %dma_wait3A_63 = tpu.memref_slice %arg4[%min3A_3] : memref<320000xf32, #tpu.memory_space<hbm>> -> memref<4992xf32, #tpu.memory_space<hbm>>
    %dma_wait3A_64 = arith.constant 0 : i32
    %dma_wait3A_65 = tpu.memref_slice %arg7[%dma_wait3A_64] : memref<10112xf32, #tpu.memory_space<vmem>> -> memref<4992xf32, #tpu.memory_space<vmem>>
    tpu.wait_dma2 semaphore(%arg8 : memref<!tpu.dma_semaphore, #tpu.memory_space<semaphore_mem>>) src(%dma_wait3A_65 : memref<4992xf32, #tpu.memory_space<vmem>>) dst(%dma_wait3A_63 : memref<4992xf32, #tpu.memory_space<hbm>>)
    %add3A_66 = arith.constant 4992 : i32
    %add3A_67 = arith.addi %min3A_3, %add3A_66 : i32
    "tpu.region"() ({
      %run_scoped3A = tpu.sem_alloc : memref<!tpu.dma_semaphore, #tpu.memory_space<semaphore_mem>>
      %dma_start3A_68 = arith.constant 4992 : i32
      %dma_start3A_69 = tpu.memref_slice %arg7[%dma_start3A_68] : memref<10112xf32, #tpu.memory_space<vmem>> -> memref<5120xf32, #tpu.memory_space<vmem>>
      %dma_start3A_70 = tpu.memref_slice %arg4[%add3A_67] : memref<320000xf32, #tpu.memory_space<hbm>> -> memref<5120xf32, #tpu.memory_space<hbm>>
      %dma_start3A_71 = tpu.memref_slice %arg4[%add3A_67] : memref<320000xf32, #tpu.memory_space<hbm>> -> memref<5120xf32, #tpu.memory_space<hbm>>
      %dma_start3A_72 = arith.constant 4992 : i32
      %dma_start3A_73 = tpu.memref_slice %arg7[%dma_start3A_72] : memref<10112xf32, #tpu.memory_space<vmem>> -> memref<5120xf32, #tpu.memory_space<vmem>>
      tpu.enqueue_dma source(%dma_start3A_73 : memref<5120xf32, #tpu.memory_space<vmem>>) target(%dma_start3A_71 : memref<5120xf32, #tpu.memory_space<hbm>>) target_semaphore(%run_scoped3A : memref<!tpu.dma_semaphore, #tpu.memory_space<semaphore_mem>>)
      %dma_wait3A_74 = arith.constant 4992 : i32
      %dma_wait3A_75 = tpu.memref_slice %arg7[%dma_wait3A_74] : memref<10112xf32, #tpu.memory_space<vmem>> -> memref<5120xf32, #tpu.memory_space<vmem>>
      %dma_wait3A_76 = tpu.memref_slice %arg4[%add3A_67] : memref<320000xf32, #tpu.memory_space<hbm>> -> memref<5120xf32, #tpu.memory_space<hbm>>
      %dma_wait3A_77 = tpu.memref_slice %arg4[%add3A_67] : memref<320000xf32, #tpu.memory_space<hbm>> -> memref<5120xf32, #tpu.memory_space<hbm>>
      %dma_wait3A_78 = arith.constant 4992 : i32
      %dma_wait3A_79 = tpu.memref_slice %arg7[%dma_wait3A_78] : memref<10112xf32, #tpu.memory_space<vmem>> -> memref<5120xf32, #tpu.memory_space<vmem>>
      tpu.wait_dma2 semaphore(%run_scoped3A : memref<!tpu.dma_semaphore, #tpu.memory_space<semaphore_mem>>) src(%dma_wait3A_79 : memref<5120xf32, #tpu.memory_space<vmem>>) dst(%dma_wait3A_77 : memref<5120xf32, #tpu.memory_space<hbm>>)
      tpu.yield
    }) : () -> ()
    return
  }
}

module attributes {stable_mosaic.version = 14 : i64} {
  func.func @_node_score_body(%arg0: i32, %arg1: memref<2048x128xf32, #tpu.memory_space<vmem>>, %arg2: memref<1x256xf32, #tpu.memory_space<vmem>>, %arg3: memref<1xf32, #tpu.memory_space<smem>>, %arg4: memref<2x16x128xf32, #tpu.memory_space<vmem>>) attributes {dimension_semantics = [#tpu.dimension_semantics<arbitrary>], iteration_bounds = array<i64: 5>, scalar_prefetch = 0 : i64, scratch_operands = 0 : i64, tpu.core_type = #tpu.core_type<tc>, window_params = [{transform_indices = @transform_0, window_bounds = array<i64: 2048, 128>}, {pipeline_mode = #tpu.pipeline_mode<synchronous>, transform_indices = @transform_1, window_bounds = array<i64: 1, 256>}, {transform_indices = @transform_2, window_bounds = array<i64: 1>}, {transform_indices = @transform_3, window_bounds = array<i64: 2, 16, 128>}]} {
    %get3A = arith.constant 0 : index
    %get3A_0 = arith.constant 0 : index
    %get3A_1 = vector.load %arg1[%get3A, %get3A_0] : memref<2048x128xf32, #tpu.memory_space<vmem>>, vector<2048x128xf32>
    %get3A_2 = arith.constant 0 : index
    %get3A_3 = arith.constant 0 : index
    %get3A_4 = vector.load %arg2[%get3A_2, %get3A_3] : memref<1x256xf32, #tpu.memory_space<vmem>>, vector<1x128xf32>
    %mul3A = vector.broadcast %get3A_4 : vector<1x128xf32> to vector<2048x128xf32>
    %mul3A_5 = arith.mulf %get3A_1, %mul3A : vector<2048x128xf32>
    %reduce_sum3A = arith.constant dense<0.000000e+00> : vector<2048xf32>
    %reduce_sum3A_6 = vector.multi_reduction <add>, %mul3A_5, %reduce_sum3A [1] : vector<2048x128xf32> to vector<2048xf32>
    %get3A_7 = arith.constant 0 : index
    %get3A_8 = memref.load %arg3[%get3A_7] : memref<1xf32, #tpu.memory_space<smem>>
    %add3A = vector.broadcast %get3A_8 : f32 to vector<2048xf32>
    %add3A_9 = arith.addf %reduce_sum3A_6, %add3A : vector<2048xf32>
    %get3A_10 = arith.constant 0 : index
    %get3A_11 = arith.constant 128 : index
    %get3A_12 = vector.load %arg2[%get3A_10, %get3A_11] : memref<1x256xf32, #tpu.memory_space<vmem>>, vector<1x128xf32>
    %mul3A_13 = vector.broadcast %get3A_12 : vector<1x128xf32> to vector<2048x128xf32>
    %mul3A_14 = arith.mulf %get3A_1, %mul3A_13 : vector<2048x128xf32>
    %reduce_sum3A_15 = arith.constant dense<0.000000e+00> : vector<2048xf32>
    %reduce_sum3A_16 = vector.multi_reduction <add>, %mul3A_14, %reduce_sum3A_15 [1] : vector<2048x128xf32> to vector<2048xf32>
    %reshape3A = vector.shape_cast %add3A_9 : vector<2048xf32> to vector<16x128xf32>
    %swap3A = arith.constant 0 : index
    %swap3A_17 = arith.constant 0 : index
    %swap3A_18 = arith.constant 0 : index
    %swap3A_19 = vector.load %arg4[%swap3A, %swap3A_17, %swap3A_18] : memref<2x16x128xf32, #tpu.memory_space<vmem>>, vector<1x16x128xf32>
    %swap3A_20 = vector.shape_cast %swap3A_19 : vector<1x16x128xf32> to vector<16x128xf32>
    %swap3A_21 = vector.shape_cast %reshape3A : vector<16x128xf32> to vector<1x16x128xf32>
    tpu.vector_store %arg4[%swap3A, %swap3A_17, %swap3A_18], %swap3A_21 {strides = array<i32>} : memref<2x16x128xf32, #tpu.memory_space<vmem>>, vector<1x16x128xf32>,
    %reshape3A_22 = vector.shape_cast %reduce_sum3A_16 : vector<2048xf32> to vector<16x128xf32>
    %swap3A_23 = arith.constant 1 : index
    %swap3A_24 = arith.constant 0 : index
    %swap3A_25 = arith.constant 0 : index
    %swap3A_26 = vector.load %arg4[%swap3A_23, %swap3A_24, %swap3A_25] : memref<2x16x128xf32, #tpu.memory_space<vmem>>, vector<1x16x128xf32>
    %swap3A_27 = vector.shape_cast %swap3A_26 : vector<1x16x128xf32> to vector<16x128xf32>
    %swap3A_28 = vector.shape_cast %reshape3A_22 : vector<16x128xf32> to vector<1x16x128xf32>
    tpu.vector_store %arg4[%swap3A_23, %swap3A_24, %swap3A_25], %swap3A_28 {strides = array<i32>} : memref<2x16x128xf32, #tpu.memory_space<vmem>>, vector<1x16x128xf32>,
    return
  }
  func.func @transform_0(%arg0: i32) -> (i32, i32) {
    %c0_i32 = arith.constant 0 : i32
    %c0_i32_0 = arith.constant 0 : i32
    return %arg0, %c0_i32 : i32, i32
  }
  func.func @transform_1(%arg0: i32) -> (i32, i32) {
    %c0_i32 = arith.constant 0 : i32
    %c0_i32_0 = arith.constant 0 : i32
    %c0_i32_1 = arith.constant 0 : i32
    return %c0_i32, %c0_i32_0 : i32, i32
  }
  func.func @transform_2(%arg0: i32) -> i32 {
    %c0_i32 = arith.constant 0 : i32
    %c0_i32_0 = arith.constant 0 : i32
    return %c0_i32 : i32
  }
  func.func @transform_3(%arg0: i32) -> (i32, i32, i32) {
    %c0_i32 = arith.constant 0 : i32
    %c0_i32_0 = arith.constant 0 : i32
    %c0_i32_1 = arith.constant 0 : i32
    return %c0_i32, %arg0, %c0_i32_0 : i32, i32, i32
  }
}

</mosaic_0001>

<sc_bundles>
// kernel: kernel.4.cloned.1.call-start
scs
__scs_entry_jumppad:
0x0: {  	(pc) =	sbr.rel $0x88, $3  }
0x1: {  	(tag) =	ssettag $0x0;
	lr =	simm.s32 $0x1  }
0x2: {  	[smem:$0x3F9D] =	sst lr;
	_ =	strace $0xD0000000  }
0x3: {  	_ = 	snop  }
0x4: {  	_ = 	snop  }
0x5: {  	_ = 	snop  }
0x6: {  	_ = 	snop  }
0x7: {  	_ = 	snop  }
__scs_overlays_trampoline_lowered:
0x8: {  	[smem:$0x3FAC] =	sst s0  }
0x9: {  	[smem:$0x3FAD] =	sst s1  }
0xa: {  	[smem:$0x3FAE] =	sst s2  }
0xb: {  	[smem:$0x3FAF] =	sst s3  }
0xc: {  	[smem:$0x3FB0] =	sst s4  }
0xd: {  	[smem:$0x3FB1] =	sst s5  }
0xe: {  	[smem:$0x3FB2] =	sst s6  }
0xf: {  	[smem:$0x3FB3] =	sst s7  }
0x10: {  	[smem:$0x3FB4] =	sst s8  }
0x11: {  	[smem:$0x3FB5] =	sst s9;
	s0 =	simm.s32 @!p0 $0x0  }
0x12: {  	s1 =	sld [smem:$0x3F9B];
	s0 =	simm.s32 @p0 $0x1  }
0x13: {  	[smem:$0x3FB6] =	sst s0;
	s0 =	simm.s32 @!p1 $0x0  }
0x14: {  	s2 =	sld [smem:$0x3F9A];
	s0 =	simm.s32 @p1 $0x1  }
0x15: {  	[smem:$0x3FB7] =	sst s0;
	s0 =	simm.s32 @!p2 $0x0  }
0x16: {  	s3 =	sld [smem:$0x3FDB];
	s0 =	simm.s32 @p2 $0x1  }
0x17: {  	s4 =	simm.s32 $0x1BF5;
	[smem:$0x3FB9] =	sst s0  }
0x18: {  	s0 =	sld [smem:$0x3F9C];
	_ =	swait.ge [sflag:s4], $0x0  }
0x19: {  	s7 =	sld [smem:$0x3F9D]  }
0x1a: {  	s8 =	sadd.s32 $0xFFFFE003, lr  }
0x1b: {  	s9 =	sadd.s32 $0xFFFFFEF7, lr;
	s5 =	simm.s32 $0xFFFFFFFF;
	p2 =	slt.u32 s8, $0xFFFFF086  }
0x1c: {  	p1 =	slt.u32 s9, $0xF7A;
	s5 =	simm.s32 @!p2 $0x0  }
0x1d: {  	s5 =	simm.s32 @p1 $0x1;
	p0 =	seq.s32 s7, s2  }
0x1e: {  	s7 =	smul.u32 @!p0 $0xF7A, s2;
	p2 =	seq.s32 @!p0 s5, $0x0  }
0x1f: {  	s9 =	smul.u32 $0xF7A, s1;
	s8 =	simm.s32 @!p0 $0x1BF5;
	p2 =	por !p2, p0  }
0x20: {  	[sflag:s8] =	ssyncset.s32 @!p0 $0xFFFFF086;
	s6 =	sadd.s32 @!p0 s3, s7;
	s7 =	simm.s32 @!p0 $0x108  }
0x21: {  	s3 =	sadd.s32 s3, s9;
	s6 =	sadd.s32 @!p0 $0x88, s6;
	s7 =	simm.s32 @p2 $0x1082  }
0x22: {  	[simem:s7], [sflag:s8] =	dma.local @!p0 [hbm:s6], $0xF7A  }
0x23: {  	s9 =	sor.u32 $0xD0000000, s2;
	s6 =	simm.s32 $0x108;
	_ =	swait.ge @!p0 [sflag:s8], $0x0  }
0x24: {  	s3 =	sadd.s32 $0x88, s3;
	s6 =	simm.s32 @!p1 $0x1082;
	[sflag:s4] =	ssyncset.s32 $0xFFFFF086  }
0x25: {  	[simem:s6], [sflag:s4] =	dma.local [hbm:s3], $0xF7A  }
0x26: {  	[smem:$0x3F9D] =	sst s1;
	(tag) =	ssettag s2;
	_ =	strace s9  }
0x27: {  	s1 =	sld [smem:$0x3FAD]  }
0x28: {  	s2 =	sld [smem:$0x3FAE]  }
0x29: {  	s4 =	sld [smem:$0x3FB0]  }
0x2a: {  	p0 =	seq.s32 s5, $0x0;
	s5 =	sld [smem:$0x3FB1]  }
0x2b: {  	s6 =	sld [smem:$0x3FB2]  }
0x2c: {  	s7 =	sld [smem:$0x3FB3]  }
0x2d: {  	s3 =	simm.s32 $0x108;
	s8 =	sld [smem:$0x3FB4]  }
0x2e: {  	s3 =	simm.s32 @!p0 $0x1082;
	s9 =	sld [smem:$0x3FB5]  }
0x2f: {  	lr =	sadd.s32 s0, s3;
	s0 =	sld [smem:$0x3FAC]  }
0x30: {  	s3 =	sld [smem:$0x3FAF]  }
0x31: {  	[smem:$0x3FB8] =	sst s10  }
0x32: {  	s10 =	sld [smem:$0x3FB6];
	_ =	sdelay $0x3  }
0x33: {  	p0 =	seq.s32 s10, $0x1;
	s10 =	sld [smem:$0x3FB8];
	_ =	sdelay $0x3  }
0x34: {  	[smem:$0x3FB8] =	sst s10  }
0x35: {  	s10 =	sld [smem:$0x3FB7];
	_ =	sdelay $0x3  }
0x36: {  	p1 =	seq.s32 s10, $0x1;
	s10 =	sld [smem:$0x3FB8];
	_ =	sdelay $0x3  }
0x37: {  	[smem:$0x3FB8] =	sst s10  }
0x38: {  	s10 =	sld [smem:$0x3FB9]  }
0x39: {  	_ = 	snop;
	(pc) =	sbr.ind lr, $3  }
0x3a: {  	_ = 	snop  }
0x3b: {  	_ = 	snop  }
0x3c: {  	p2 =	seq.s32 s10, $0x1;
	s10 =	sld [smem:$0x3FB8]  }
0x3d: {  	_ =	shalt  }
0x3e: {  	_ =	shalt  }
0x3f: {  	_ =	shalt  }
0x40: {  	_ =	shalt  }
0x41: {  	_ =	shalt  }
0x42: {  	_ =	shalt  }
0x43: {  	_ =	shalt  }
0x44: {  	_ =	shalt  }
0x45: {  	_ =	shalt  }
0x46: {  	_ =	shalt  }
0x47: {  	_ =	shalt  }
0x48: {  	_ =	shalt  }
0x49: {  	_ =	shalt  }
0x4a: {  	_ =	shalt  }
0x4b: {  	_ =	shalt  }
0x4c: {  	_ =	shalt  }
0x4d: {  	_ =	shalt  }
0x4e: {  	_ =	shalt  }
0x4f: {  	_ =	shalt  }
0x50: {  	_ =	shalt  }
0x51: {  	_ =	shalt  }
0x52: {  	_ =	shalt  }
0x53: {  	_ =	shalt  }
0x54: {  	_ =	shalt  }
0x55: {  	_ =	shalt  }
0x56: {  	_ =	shalt  }
0x57: {  	_ =	shalt  }
0x58: {  	_ =	shalt  }
0x59: {  	_ =	shalt  }
0x5a: {  	_ =	shalt  }
0x5b: {  	_ =	shalt  }
0x5c: {  	_ =	shalt  }
0x5d: {  	_ =	shalt  }
0x5e: {  	_ =	shalt  }
0x5f: {  	_ =	shalt  }
0x60: {  	_ =	shalt  }
0x61: {  	_ =	shalt  }
0x62: {  	_ =	shalt  }
0x63: {  	_ =	shalt  }
0x64: {  	_ =	shalt  }
0x65: {  	_ =	shalt  }
0x66: {  	_ =	shalt  }
0x67: {  	_ =	shalt  }
0x68: {  	_ =	shalt  }
0x69: {  	_ =	shalt  }
0x6a: {  	_ =	shalt  }
0x6b: {  	_ =	shalt  }
0x6c: {  	_ =	shalt  }
0x6d: {  	_ =	shalt  }
0x6e: {  	_ =	shalt  }
0x6f: {  	_ =	shalt  }
0x70: {  	_ =	shalt  }
0x71: {  	_ =	shalt  }
0x72: {  	_ =	shalt  }
0x73: {  	_ =	shalt  }
0x74: {  	_ =	shalt  }
0x75: {  	_ =	shalt  }
0x76: {  	_ =	shalt  }
0x77: {  	_ =	shalt  }
0x78: {  	_ =	shalt  }
0x79: {  	_ =	shalt  }
0x7a: {  	_ =	shalt  }
0x7b: {  	_ =	shalt  }
0x7c: {  	_ =	shalt  }
0x7d: {  	_ =	shalt  }
0x7e: {  	_ =	shalt  }
0x7f: {  	_ =	shalt  }
0x80: {  	_ =	shalt  }
0x81: {  	_ =	shalt  }
0x82: {  	_ =	shalt  }
0x83: {  	_ =	shalt  }
0x84: {  	_ =	shalt  }
0x85: {  	_ =	shalt  }
0x86: {  	_ =	shalt  }
0x87: {  	_ =	shalt  }
.Lfunc_end0:
.L_simem_size_0:
called_computation_lowered:
.L_overlay_start_0:
0x88: {  	s2 =	sld [smem:$0x3FD9]  }
0x89: {  	s3 =	sld [smem:$0x3FFE];
	_ =	sdelay $0x1  }
0x8a: {  	s1 =	srdreg.scid  }
0x8b: {  	s0 =	sand.u32 $0x1, s1  }
0x8c: {  	s17 =	sshll.u32 s0, $0xA;
	s2 =	sadd.s32 s3, s2  }
0x8d: {  	s2 =	sadd.s32 s2, s17  }
0x8e: {  	[smem:$0x3FC4] =	sst s2  }
0x8f: {  	_ = 	snop  }
0x90: {  	s2 =	sld [smem:$0x3FC8]  }
0x91: {  	s18 =	sld [smem:$0x3FD0];
	(tm) =	ssettm $0x1  }
0x92: {  	s4 =	sld [smem:$0x3FFB];
	_ =	sdelay $0x3  }
0x93: {  	_ =	strace s4  }
0x94: {  	s4 =	sld [smem:$0x3FFC];
	_ =	sdelay $0x3  }
0x95: {  	_ =	strace s4  }
0x96: {  	s4 =	sld [smem:$0x3FFD];
	_ =	sdelay $0x3  }
0x97: {  	_ =	strace s4  }
0x98: {  	_ =	strace $0x8FFFFFFF  }
0x99: {  	s19 =	sld [smem:$0x3FDB];
	_ =	sdelay $0x1  }
0x9a: {  	s5 =	simm.s32 $_scs_section_size  }
0x9b: {  	s6 =	simm.s32 $_size__tile_overlayer_lowered;
	s7 =	simm.s32 $_tile_overlayer_lowered  }
0x9c: {  	s22 =	simm.s32 $0x1BFF;
	s21 =	sshll.u32 s7, $0x1;
	s4 =	sadd.s32 s5, s19  }
0x9d: {  	s8 =	simm.s32 $0x0;
	s20 =	sshll.u32 s6, $0x1;
	s6 =	sadd.s32 s21, s4  }
0x9e: {  	[timem:s8], [sflag:s22] =	dma.local [hbm:s6], s20  }
0x9f: {  	_ =	swait.ge [sflag:s22], s20  }
0xa0: {  	s5 =	ssub.s32 $0x0, s20;
	[sflag:s22] =	ssyncset.done $0x0  }
0xa1: {  	[sflag:s22] =	ssyncadd.s32 s5;
	_ =	sdelay $0x1  }
0xa2: {  	s23 =	simm.s32 $0x1B8B  }
0xa3: {  	_ =	swait.ge [sflag:s23], $0x1  }
0xa4: {  	[sflag:s23] =	ssyncset.done $0x0  }
0xa5: {  	s25 =	simm.s32 $0x1B8E;
	s24 =	sld [smem:$0x3FFE];
	[sflag:s23] =	ssyncadd.s32 $0xFFFFFFFF  }
0xa6: {  	s26 =	simm.s32 $execute0_lowered;
	[smem:$0x3FD2] =	sst s25  }
0xa7: {  	s6 =	sshll.u32 s26, $0x1;
	_ =	strace $0x80000046;
	[dreg:$0x1] =	wrdreg $0xFFFFFFFF  }
0xa8: {  	s28 =	simm.s32 $_size_execute0_lowered;
	s4 =	sadd.s32 s4, s6;
	[dreg:$0x0] =	wrdreg $0x0  }
0xa9: {  	s6 =	sshll.u32 s28, $0x1;
	[dreg:$0x2] =	wrdreg s4  }
0xaa: {  	[dreg:$0x3] =	wrdreg s6  }
0xab: {  	[dreg:$0x4] =	wrdreg $0xC0  }
0xac: {  	_ =	task [dreg:s8], $0x5FFFF  }
0xad: {  	[dreg:$0x1] =	wrdreg $0xFFFFFFFF  }
0xae: {  	[dreg:$0x0] =	wrdreg $0x60  }
0xaf: {  	[dreg:$0x2] =	wrdreg s18  }
0xb0: {  	[dreg:$0x3] =	wrdreg s2  }
0xb1: {  	[dreg:$0x4] =	wrdreg s24  }
0xb2: {  	[dreg:$0x5] =	wrdreg $0x9  }
0xb3: {  	_ =	task.clear_ibuf [dreg:s8], $0x6FFFF;
	_ =	strace $0x90000046  }
0xb4: {  	s29 =	simm.s32 $0x9;
	_ =	strace $0x80000048  }
0xb5: {  	_ =	swait.ge [sflag:s29], $0x1  }
0xb6: {  	[sflag:s29] =	ssyncadd.s32 $0xFFFFFFFF  }
0xb7: {  	_ =	strace $0x90000048  }
0xb8: {  	_ =	sfence  }
0xb9: {  	s30 =	sld [smem:$0x0];
	_ =	sdelay $0x2  }
0xba: {  	s31 =	sshll.u32 s1, $0xD;
	s1 =	sshrl.u32 s1, $0x2  }
0xbb: {  	s3 =	sand.u32 $0x4000, s31;
	s1 =	sadd.s32 s1, s30  }
0xbc: {  	s0 =	sor.u32 s3, s0;
	s1 =	sshll.u32 s1, $0x11  }
0xbd: {  	s0 =	sor.u32 s1, s0  }
0xbe: {  	s0 =	sadd.s32 $0x8F2B, s0  }
0xbf: {  	[sflag:s0] =	ssyncadd.remote.s32 $0x1  }
0xc0: {  	_ =	sfence.sel $0xFFFF  }
0xc1: {  	[dreg:$0x0] =	wrdreg $0xFFFFFFFF;
	(pc) =	sbr.abs _section_cstart, $3  }
0xc2: {  	[dreg:$0x1] =	wrdreg $0xFFFFFFFF  }
0xc3: {  	_ =	task.clear_ibuf [dreg:s8], $0x2FFFF;
	_ =	strace $0x9FFFFFFF  }
0xc4: {  	(tm) =	ssettm $0x7FFFFFFF  }
0xc5: {  	_ =	shalt  }
tec
execute0_lowered:
.L_overlay_start_1:
0x0: {  	(tag) =	ssettag $0x1  }
0x1: {  	s1 =	rddreg [dreg:$0x0]  }
0x2: {  	s5 =	rddreg [dreg:$0x1]  }
0x3: {  	s2 =	srdreg.scid;
	s0 =	stileid.u32  }
0x4: {  	s4 =	rddreg [dreg:$0x2];
	s3 =	simm.s32 $0x0;
	s11 =	simm.s32 $0x1  }
0x5: {  	s12 =	simm.s32 $0x9F00;
	s6 =	sand.u32 $0x1, s2;
	s7 =	sshll.u32 s0, $0x1  }
0x6: {  	s13 =	simm.s32 $0xB280;
	s14 =	simm.s32 $0x2;
	s7 =	sor.u32 s6, s7  }
0x7: {  	s15 =	simm.s32 $0x0;
	s6 =	ssub.s32 $0x2, s6;
	s7 =	smul.u32 $0x2780, s7  }
0x8: {  	[smem:$0x7FF] =	sst s3;
	s8 =	sadd.s32 $0xA00, s4;
	s28 =	sshrl.u32 s6, $0x1  }
0x9: {  	_ =	strace $0x80000047;
	s9 =	ssub.s32 s6, s28;
	s7 =	smin.u32 s7, $0x4BA80  }
0xa: {  	s29 =	sshrl.u32 s7, $0x2;
	s10 =	sadd.s32 $0x1380, s7;
	s7 =	sshrl.u32 s7, $0x3  }
0xb: {  	s4 =	sadd.s32 s5, s29;
	s30 =	sshrl.u32 s10, $0x2;
	s6 =	sadd.s32 s8, s7  }
0xc: {  	s31 =	sshrl.u32 s10, $0x3;
	s10 =	simm.s32 $0x2700;
	s5 =	sadd.s32 s5, s30  }
0xd: {  	s7 =	sadd.s32 s8, s31;
	s8 =	smax.u32 s9, $0x1;
	s9 =	simm.s32 $0x4F00  }
.LBB2_1:
0xe: {  	[tilespmem:s9], [sflag:$0x1] =	stream.linear.gather [hbm4b:s1+s3], $0x5000, $0x38;
	[tilespmem:$0xC680] =	vst v63  }
0xf: {  	_ = 	snop  }
0x10: {  	[tilespmem:s3], [sflag:$0x1] =	stream.linear.gather [hbm4b:s4+s3], $0x2700, $0x38;
	[tilespmem:$0xC680] =	vst v63  }
0x11: {  	_ = 	snop  }
0x12: {  	[tilespmem:s10], [sflag:$0x1] =	stream.linear.gather [hbm4b:s5+s3], $0x2800, $0x38;
	[tilespmem:$0xC680] =	vst v63  }
0x13: {  	_ =	swait.ge [sflag:s11], $0x5000  }
0x14: {  	[sflag:s11] =	ssyncset.done $0x0  }
0x15: {  	s24 =	simm.s32 $0x0;
	[sflag:s11] =	ssyncadd.s32 $0xFFFFB000  }
0x16: {  	s16 =	sand.u32 $0x40, s24;
	_ =	swait.ge [sflag:s11], $0x2700  }
0x17: {  	s17 =	sand.u32 $0x3F00, s3;
	s23 =	sor.u32 $0x30, s16;
	[sflag:s11] =	ssyncset.done $0x0  }
0x18: {  	s18 =	sor.u32 s23, s17;
	[sflag:s11] =	ssyncadd.s32 $0xFFFFD900  }
0x19: {  	s22 =	sor.u32 $0x10, s16;
	v0 =	vld [tilespmem:s18+$0x80]  }
0x1a: {  	s21 =	sor.u32 $0x20, s16;
	s19 =	sor.u32 s22, s17;
	v1 =	vld [tilespmem:s18+$0x0]  }
0x1b: {  	s0 =	sor.u32 s21, s17;
	v2 =	vld [tilespmem:s19+$0x80]  }
0x1c: {  	s16 =	sor.u32 s16, s17;
	v3 =	vld [tilespmem:s0+$0x80]  }
0x1d: {  	s29 =	simm.s32 $0x40;
	v4 =	vld [tilespmem:s16+$0x80]  }
0x1e: {  	s2 =	sand.u32 $0x40, s29;
	v5 =	vld [tilespmem:s19+$0x0];
	s19 =	simm.s32 $0x80  }
0x1f: {  	s26 =	sor.u32 $0x20, s2;
	v6 =	vld [tilespmem:s0+$0x0];
	s17 =	sand.u32 $0x3F00, s19  }
0x20: {  	v7 =	vld [tilespmem:s16+$0x0];
	s31 =	sor.u32 s26, s17  }
0x21: {  	s25 =	sor.u32 $0x10, s2;
	s16 =	sor.u32 s2, s17;
	v11 =	vld [tilespmem:s31+$0x80]  }
0x22: {  	s30 =	sor.u32 s25, s17;
	v12 =	vld [tilespmem:s16+$0x80]  }
0x23: {  	v13 =	vld [tilespmem:s30+$0x0]  }
0x24: {  	v14 =	vld [tilespmem:s31+$0x0]  }
0x25: {  	v15 =	vld [tilespmem:s16+$0x0]  }
0x26: {  	s28 =	sor.u32 $0x30, s2;
	v0 =	vadd.s32 $0x2800, v0;
	v8 =	vld.idx.msk [tilespmem:v1+s9+$0x0], $0xffff  }
0x27: {  	s20 =	sor.u32 s28, s17;
	v3 =	vadd.s32 $0x2800, v3;
	v5 =	vld.idx.msk [tilespmem:v5+s9+$0x0], $0xffff  }
0x28: {  	v1 =	vld [tilespmem:s20+$0x0]  }
0x29: {  	v6 =	vld.idx.msk [tilespmem:v6+s9+$0x0], $0xffff  }
0x2a: {  	v2 =	vadd.s32 $0x2800, v2;
	v18 =	vld.idx.msk [tilespmem:v7+s9+$0x0], $0xffff  }
0x2b: {  	v4 =	vadd.s32 $0x2800, v4;
	v9 =	vld.idx.msk [tilespmem:v0+s9+$0x0], $0xffff  }
0x2c: {  	v10 =	vld.idx.msk [tilespmem:v3+s9+$0x0], $0xffff  }
0x2d: {  	s16 =	simm.s32 $0x80;
	v0 =	vld [tilespmem:s20+$0x80]  }
0x2e: {  	s18 =	simm.s32 $0x100;
	v3 =	vld [tilespmem:s30+$0x80];
	s30 =	sand.u32 $0x40, s16  }
0x2f: {  	s31 =	sand.u32 $0x3F00, s18;
	v2 =	vld.idx.msk [tilespmem:v2+s9+$0x0], $0xffff;
	s20 =	sor.u32 $0x30, s30  }
0x30: {  	v11 =	vadd.s32 $0x2800, v11;
	v4 =	vld.idx.msk [tilespmem:v4+s9+$0x0], $0xffff;
	s0 =	sor.u32 s20, s31  }
0x31: {  	s19 =	sor.u32 $0x10, s30;
	v7 =	vld [tilespmem:s0+$0x80]  }
0x32: {  	s2 =	sor.u32 s19, s31;
	v62 =	vld [tilespmem:s0+$0x0];
	v0 =	vadd.s32 $0x2800, v0  }
0x33: {  	v63 =	vld [tilespmem:s2+$0x80];
	v3 =	vadd.s32 $0x2800, v3  }
0x34: {  	v16 =	vld.idx.msk [tilespmem:v1+s9+$0x0], $0xffff  }
0x35: {  	v1 =	vld.idx.msk [tilespmem:v11+s9+$0x0], $0xffff  }
0x36: {  	v11 =	vld.idx.msk [tilespmem:v13+s9+$0x0], $0xffff  }
0x37: {  	v17 =	vld.idx.msk [tilespmem:v0+s9+$0x0], $0xffff  }
0x38: {  	s24 =	sand.u32 $0x1F80, s24;
	s17 =	sor.u32 $0x20, s30;
	v19 =	vld.idx.msk [tilespmem:v3+s9+$0x0], $0xffff  }
0x39: {  	s24 =	sadd.s32 $0x9F00, s24;
	v12 =	vadd.s32 $0x2800, v12;
	v8 =	vadd.f32 v9, v8;
	v3 =	vld [tilespmem:s2+$0x0];
	s2 =	sor.u32 s17, s31  }
0x3a: {  	s23 =	sor.u32 s23, s24;
	s30 =	sor.u32 s30, s31;
	v5 =	vadd.f32 v2, v5;
	v9 =	vld [tilespmem:s2+$0x80]  }
0x3b: {  	s22 =	sor.u32 s22, s24;
	v20 =	vld [tilespmem:s30+$0x80];
	s0 =	sand.u32 $0x1F80, s29;
	[tilespmem:s23+$0x0] =	vst v8  }
0x3c: {  	s29 =	sadd.s32 $0x9F00, s0;
	[tilespmem:s22+$0x0] =	vst v5;
	v8 =	vld.idx.msk [tilespmem:v14+s9+$0x0], $0xffff;
	v21 =	vadd.s32 $0x2800, v7;
	v5 =	vadd.f32 v17, v16  }
0x3d: {  	v6 =	vadd.f32 v10, v6;
	v7 =	vld [tilespmem:s30+$0x0];
	s30 =	sor.u32 s28, s29  }
0x3e: {  	s24 =	sor.u32 s21, s24;
	v0 =	vld.idx.msk [tilespmem:v12+s9+$0x0], $0xffff;
	[tilespmem:s30+$0x0] =	vst v5;
	v5 =	vadd.f32 v19, v11;
	v11 =	vadd.s32 $0x2800, v63  }
0x3f: {  	[tilespmem:s24+$0x0] =	vst v6;
	v6 =	vadd.f32 v4, v18;
	v2 =	vld [tilespmem:s2+$0x0];
	v10 =	vadd.s32 $0x2800, v9  }
0x40: {  	v4 =	vld.idx.msk [tilespmem:v62+s9+$0x0], $0xffff;
	v9 =	vadd.s32 $0x2800, v20  }
0x41: {  	[tilespmem:s12+$0x0] =	vst v6;
	s31 =	sor.u32 s25, s29;
	v6 =	vld.idx.msk [tilespmem:v21+s9+$0x0], $0xffff  }
0x42: {  	s21 =	simm.s32 $0x9F00;
	s22 =	sor.u32 s26, s29;
	s23 =	simm.s32 $0x80;
	[tilespmem:s31+$0x0] =	vst v5;
	v5 =	vld.idx.msk [tilespmem:v15+s9+$0x0], $0xffff  }
.LBB2_2:
0x43: {  	s16 =	sadd.s32 $0x40, s16;
	v11 =	vld.idx.msk [tilespmem:v11+s9+$0x0], $0xffff;
	v12 =	vmov v7  }
0x44: {  	s18 =	sadd.s32 $0x80, s18;
	s2 =	sand.u32 $0x40, s16;
	p0 =	slt.u32 s16, $0x1340;
	v7 =	vld.idx.msk [tilespmem:v10+s9+$0x0], $0xffff  }
0x45: {  	s24 =	sand.u32 $0x3F00, s18;
	v1 =	vadd.f32 v1, v8;
	s25 =	sor.u32 $0x10, s2;
	s26 =	sor.u32 $0x30, s2;
	v9 =	vld.idx.msk [tilespmem:v9+s9+$0x0], $0xffff  }
0x46: {  	s23 =	sand.u32 $0x1F80, s23;
	s28 =	sor.u32 $0x20, s2;
	s29 =	sor.u32 s26, s24;
	v8 =	vld.idx.msk [tilespmem:v3+s9+$0x0], $0xffff  }
0x47: {  	s23 =	sadd.s32 $0x9F00, s23;
	s30 =	sor.u32 s25, s24;
	s31 =	sor.u32 s28, s24;
	v3 =	vadd.f32 v6, v4;
	v10 =	vld [tilespmem:s29+$0x80];
	[tilespmem:s22+$0x0] =	vst v1  }
0x48: {  	s2 =	sor.u32 s2, s24;
	s24 =	sor.u32 s19, s23;
	s19 =	sor.u32 s20, s23;
	v14 =	vadd.f32 v0, v5;
	v4 =	vld [tilespmem:s29+$0x0]  }
0x49: {  	s21 =	sadd.s32 $0x40, s21;
	s22 =	sor.u32 s17, s23;
	s23 =	smov.u32 s16;
	v5 =	vld [tilespmem:s30+$0x80];
	[tilespmem:s19+$0x0] =	vst v3  }
0x4a: {  	s20 =	smov.u32 s26;
	s17 =	smov.u32 s28;
	v1 =	vmov v7;
	s19 =	smov.u32 s25;
	v6 =	vld [tilespmem:s31+$0x80];
	[tilespmem:s21+$0x0] =	vst v14  }
0x4b: {  	v0 =	vmov v9;
	v13 =	vld [tilespmem:s2+$0x80]  }
0x4c: {  	v8 =	vadd.f32 v11, v8;
	v3 =	vld [tilespmem:s30+$0x0];
	v14 =	vadd.s32 $0x2800, v10  }
0x4d: {  	v15 =	vld [tilespmem:s31+$0x0]  }
.Ltmp0:
0x4e: {  	v7 =	vld [tilespmem:s2+$0x0];
	v11 =	vadd.s32 $0x2800, v5;
	[tilespmem:s24+$0x0] =	vst v8;
	(pc) =	sbr.rel @p0 .LBB2_2-.Ltmp0, $4  }
0x4f: {  	v10 =	vadd.s32 $0x2800, v6;
	v8 =	vld.idx.msk [tilespmem:v2+s9+$0x0], $0xffff  }
0x50: {  	v9 =	vadd.s32 $0x2800, v13;
	v4 =	vld.idx.msk [tilespmem:v4+s9+$0x0], $0xffff  }
0x51: {  	v6 =	vld.idx.msk [tilespmem:v14+s9+$0x0], $0xffff  }
0x52: {  	v5 =	vld.idx.msk [tilespmem:v12+s9+$0x0], $0xffff;
	v2 =	vmov v15  }
0x53: {  	_ =	sdelay $0x3  }
0x54: {  	v11 =	vld.idx.msk [tilespmem:v11+s9+$0x0], $0xffff  }
0x55: {  	v10 =	vld.idx.msk [tilespmem:v10+s9+$0x0], $0xffff  }
0x56: {  	v9 =	vld.idx.msk [tilespmem:v9+s9+$0x0], $0xffff  }
0x57: {  	v3 =	vld.idx.msk [tilespmem:v3+s9+$0x0], $0xffff  }
0x58: {  	v2 =	vld.idx.msk [tilespmem:v2+s9+$0x0], $0xffff  }
0x59: {  	s2 =	sand.u32 $0x1F80, s23;
	v7 =	vld.idx.msk [tilespmem:v7+s9+$0x0], $0xffff;
	v1 =	vadd.f32 v1, v8  }
0x5a: {  	s2 =	sadd.s32 $0x9F00, s2;
	v4 =	vadd.f32 v6, v4  }
0x5b: {  	s16 =	sor.u32 s20, s2;
	[tilespmem:s22+$0x0] =	vst v1;
	v0 =	vadd.f32 v0, v5  }
0x5c: {  	s0 =	sadd.s32 $0x40, s21;
	[tilespmem:s16+$0x0] =	vst v4;
	v1 =	vadd.f32 v11, v3  }
0x5d: {  	s18 =	sor.u32 s19, s2;
	[tilespmem:s0+$0x0] =	vst v0;
	v0 =	vadd.f32 v10, v2  }
0x5e: {  	s2 =	sor.u32 s17, s2;
	[tilespmem:s18+$0x0] =	vst v1;
	v1 =	vadd.f32 v9, v7  }
0x5f: {  	s18 =	sadd.s32 $0x40, s0;
	[tilespmem:s2+$0x0] =	vst v0  }
0x60: {  	s23 =	simm.s32 $0x1380;
	[tilespmem:s18+$0x0] =	vst v1  }
0x61: {  	[hbm4b:s6+s3] =	stream.linear.scatter [tilespmem:s12], [sflag:$0x1], $0x1380, $0x38;
	[tilespmem:$0xC680] =	vst v63  }
0x62: {  	s19 =	simm.s32 $0x2700;
	s20 =	sand.u32 $0x40, s23;
	_ =	swait.ge [sflag:s11], $0x2800  }
0x63: {  	s24 =	sor.u32 $0x30, s20;
	s2 =	sand.u32 $0x7F00, s19;
	[sflag:s11] =	ssyncset.done $0x0  }
0x64: {  	s25 =	sor.u32 s24, s2;
	[sflag:s11] =	ssyncadd.s32 $0xFFFFD800  }
0x65: {  	s22 =	sor.u32 $0x10, s20;
	v0 =	vld [tilespmem:s25+$0x80]  }
0x66: {  	s21 =	sor.u32 $0x20, s20;
	s26 =	sor.u32 s22, s2;
	v1 =	vld [tilespmem:s25+$0x0]  }
0x67: {  	s28 =	sor.u32 s21, s2;
	v2 =	vld [tilespmem:s26+$0x80]  }
0x68: {  	s2 =	sor.u32 s20, s2;
	v3 =	vld [tilespmem:s28+$0x80]  }
0x69: {  	v4 =	vld [tilespmem:s2+$0x80]  }
0x6a: {  	s30 =	simm.s32 $0x2780;
	v7 =	vld [tilespmem:s2+$0x0];
	s2 =	simm.s32 $0x13C0  }
0x6b: {  	s17 =	sand.u32 $0x7F00, s30;
	v5 =	vld [tilespmem:s26+$0x0];
	s29 =	sand.u32 $0x40, s2  }
0x6c: {  	v6 =	vld [tilespmem:s28+$0x0];
	s16 =	sor.u32 s29, s17  }
0x6d: {  	s26 =	sor.u32 $0x20, s29;
	v12 =	vld [tilespmem:s16+$0x80]  }
0x6e: {  	s25 =	sor.u32 $0x10, s29;
	s20 =	sor.u32 s26, s17;
	v15 =	vld [tilespmem:s16+$0x0]  }
0x6f: {  	s0 =	sor.u32 s25, s17;
	v11 =	vld [tilespmem:s20+$0x80]  }
0x70: {  	v13 =	vld [tilespmem:s0+$0x0]  }
0x71: {  	s28 =	sor.u32 $0x30, s29;
	v14 =	vld [tilespmem:s20+$0x0];
	v0 =	vadd.s32 $0x2800, v0  }
0x72: {  	s31 =	sor.u32 s28, s17;
	v2 =	vadd.s32 $0x2800, v2;
	v8 =	vld.idx.msk [tilespmem:v1+s9+$0x0], $0xffff  }
0x73: {  	v3 =	vadd.s32 $0x2800, v3;
	v1 =	vld [tilespmem:s31+$0x0]  }
0x74: {  	v6 =	vld.idx.msk [tilespmem:v6+s9+$0x0], $0xffff  }
0x75: {  	v18 =	vld.idx.msk [tilespmem:v7+s9+$0x0], $0xffff  }
0x76: {  	v9 =	vld.idx.msk [tilespmem:v0+s9+$0x0], $0xffff  }
0x77: {  	v4 =	vadd.s32 $0x2800, v4;
	v2 =	vld.idx.msk [tilespmem:v2+s9+$0x0], $0xffff  }
0x78: {  	v10 =	vld.idx.msk [tilespmem:v3+s9+$0x0], $0xffff  }
0x79: {  	s16 =	simm.s32 $0x1400;
	v3 =	vld.idx.msk [tilespmem:v5+s9+$0x0], $0xffff  }
0x7a: {  	s18 =	simm.s32 $0x2800;
	s29 =	sand.u32 $0x40, s16;
	v0 =	vld [tilespmem:s31+$0x80]  }
0x7b: {  	s30 =	sand.u32 $0x7F00, s18;
	s20 =	sor.u32 $0x30, s29;
	v5 =	vld [tilespmem:s0+$0x80]  }
0x7c: {  	v4 =	vld.idx.msk [tilespmem:v4+s9+$0x0], $0xffff;
	s31 =	sor.u32 s20, s30  }
0x7d: {  	s19 =	sor.u32 $0x10, s29;
	v11 =	vadd.s32 $0x2800, v11;
	v7 =	vld [tilespmem:s31+$0x80]  }
0x7e: {  	s17 =	sor.u32 $0x20, s29;
	s0 =	sor.u32 s19, s30;
	v62 =	vld [tilespmem:s31+$0x0]  }
0x7f: {  	s31 =	sor.u32 s17, s30;
	v63 =	vld [tilespmem:s0+$0x80];
	v0 =	vadd.s32 $0x2800, v0  }
0x80: {  	v19 =	vld [tilespmem:s31+$0x80];
	v5 =	vadd.s32 $0x2800, v5  }
0x81: {  	v16 =	vld.idx.msk [tilespmem:v1+s9+$0x0], $0xffff  }
0x82: {  	v1 =	vld.idx.msk [tilespmem:v11+s9+$0x0], $0xffff  }
0x83: {  	v11 =	vld.idx.msk [tilespmem:v13+s9+$0x0], $0xffff  }
0x84: {  	v17 =	vld.idx.msk [tilespmem:v0+s9+$0x0], $0xffff  }
0x85: {  	s29 =	sor.u32 s29, s30;
	v5 =	vld.idx.msk [tilespmem:v5+s9+$0x0], $0xffff  }
0x86: {  	s23 =	sand.u32 $0x3F80, s23;
	v8 =	vadd.f32 v9, v8;
	v9 =	vld [tilespmem:s29+$0x80]  }
0x87: {  	s23 =	sadd.s32 $0x9F00, s23;
	v12 =	vadd.s32 $0x2800, v12;
	v20 =	vadd.f32 v2, v3;
	v3 =	vld [tilespmem:s0+$0x0]  }
0x88: {  	s24 =	sor.u32 s24, s23;
	s2 =	sand.u32 $0x3F80, s2;
	v6 =	vadd.f32 v10, v6;
	v2 =	vld [tilespmem:s31+$0x0];
	v21 =	vadd.s32 $0x2800, v7  }
0x89: {  	s2 =	sadd.s32 $0x9F00, s2;
	v7 =	vld [tilespmem:s29+$0x0];
	[tilespmem:s24+$0x0] =	vst v8;
	s24 =	sor.u32 s21, s23;
	v10 =	vadd.f32 v17, v16  }
0x8a: {  	s30 =	sor.u32 s28, s2;
	v8 =	vld.idx.msk [tilespmem:v14+s9+$0x0], $0xffff;
	[tilespmem:s24+$0x0] =	vst v6;
	v5 =	vadd.f32 v5, v11;
	v11 =	vadd.s32 $0x2800, v63  }
0x8b: {  	s22 =	sor.u32 s22, s23;
	v6 =	vadd.f32 v4, v18;
	v4 =	vld.idx.msk [tilespmem:v62+s9+$0x0], $0xffff;
	[tilespmem:s30+$0x0] =	vst v10;
	v10 =	vadd.s32 $0x2800, v19  }
0x8c: {  	[tilespmem:s22+$0x0] =	vst v20;
	s21 =	simm.s32 $0xB280;
	v0 =	vld.idx.msk [tilespmem:v12+s9+$0x0], $0xffff;
	v9 =	vadd.s32 $0x2800, v9  }
0x8d: {  	s31 =	sor.u32 s25, s2;
	[tilespmem:s21+$0x0] =	vst v6;
	v6 =	vld.idx.msk [tilespmem:v21+s9+$0x0], $0xffff  }
0x8e: {  	s22 =	sor.u32 s26, s2;
	s23 =	simm.s32 $0x1400;
	[tilespmem:s31+$0x0] =	vst v5;
	v5 =	vld.idx.msk [tilespmem:v15+s9+$0x0], $0xffff  }
.LBB2_4:
0x8f: {  	s16 =	sadd.s32 $0x40, s16;
	v11 =	vld.idx.msk [tilespmem:v11+s9+$0x0], $0xffff;
	v12 =	vmov v7  }
0x90: {  	s18 =	sadd.s32 $0x80, s18;
	s0 =	sand.u32 $0x40, s16;
	p0 =	slt.u32 s16, $0x2740;
	v7 =	vld.idx.msk [tilespmem:v10+s9+$0x0], $0xffff  }
0x91: {  	s2 =	sand.u32 $0x7F00, s18;
	v1 =	vadd.f32 v1, v8;
	s24 =	sor.u32 $0x10, s0;
	s25 =	sor.u32 $0x30, s0;
	v9 =	vld.idx.msk [tilespmem:v9+s9+$0x0], $0xffff  }
0x92: {  	s23 =	sand.u32 $0x3F80, s23;
	s26 =	sor.u32 $0x20, s0;
	s28 =	sor.u32 s25, s2;
	v8 =	vld.idx.msk [tilespmem:v3+s9+$0x0], $0xffff  }
0x93: {  	s23 =	sadd.s32 $0x9F00, s23;
	s29 =	sor.u32 s24, s2;
	s30 =	sor.u32 s26, s2;
	v3 =	vadd.f32 v6, v4;
	v10 =	vld [tilespmem:s28+$0x80];
	[tilespmem:s22+$0x0] =	vst v1  }
0x94: {  	s0 =	sor.u32 s0, s2;
	s2 =	sor.u32 s19, s23;
	s19 =	sor.u32 s20, s23;
	v14 =	vadd.f32 v0, v5;
	v4 =	vld [tilespmem:s28+$0x0]  }
0x95: {  	s21 =	sadd.s32 $0x40, s21;
	s22 =	sor.u32 s17, s23;
	s23 =	smov.u32 s16;
	v5 =	vld [tilespmem:s29+$0x80];
	[tilespmem:s19+$0x0] =	vst v3  }
0x96: {  	s20 =	smov.u32 s25;
	s17 =	smov.u32 s26;
	v1 =	vmov v7;
	s19 =	smov.u32 s24;
	v6 =	vld [tilespmem:s30+$0x80];
	[tilespmem:s21+$0x0] =	vst v14  }
0x97: {  	v0 =	vmov v9;
	v13 =	vld [tilespmem:s0+$0x80]  }
0x98: {  	v8 =	vadd.f32 v11, v8;
	v3 =	vld [tilespmem:s29+$0x0];
	v14 =	vadd.s32 $0x2800, v10  }
0x99: {  	v15 =	vld [tilespmem:s30+$0x0]  }
.Ltmp1:
0x9a: {  	v7 =	vld [tilespmem:s0+$0x0];
	v11 =	vadd.s32 $0x2800, v5;
	[tilespmem:s2+$0x0] =	vst v8;
	(pc) =	sbr.rel @p0 .LBB2_4-.Ltmp1, $4  }
0x9b: {  	v10 =	vadd.s32 $0x2800, v6;
	v8 =	vld.idx.msk [tilespmem:v2+s9+$0x0], $0xffff  }
0x9c: {  	v9 =	vadd.s32 $0x2800, v13;
	v4 =	vld.idx.msk [tilespmem:v4+s9+$0x0], $0xffff  }
0x9d: {  	v6 =	vld.idx.msk [tilespmem:v14+s9+$0x0], $0xffff  }
0x9e: {  	v5 =	vld.idx.msk [tilespmem:v12+s9+$0x0], $0xffff;
	v2 =	vmov v15  }
0x9f: {  	_ =	sdelay $0x3  }
0xa0: {  	v11 =	vld.idx.msk [tilespmem:v11+s9+$0x0], $0xffff  }
0xa1: {  	v10 =	vld.idx.msk [tilespmem:v10+s9+$0x0], $0xffff  }
0xa2: {  	v9 =	vld.idx.msk [tilespmem:v9+s9+$0x0], $0xffff  }
0xa3: {  	v3 =	vld.idx.msk [tilespmem:v3+s9+$0x0], $0xffff  }
0xa4: {  	v2 =	vld.idx.msk [tilespmem:v2+s9+$0x0], $0xffff  }
0xa5: {  	s0 =	sand.u32 $0x3F80, s23;
	v7 =	vld.idx.msk [tilespmem:v7+s9+$0x0], $0xffff;
	v1 =	vadd.f32 v1, v8  }
0xa6: {  	s0 =	sadd.s32 $0x9F00, s0;
	v4 =	vadd.f32 v6, v4  }
0xa7: {  	s2 =	sor.u32 s20, s0;
	[tilespmem:s22+$0x0] =	vst v1;
	v0 =	vadd.f32 v0, v5  }
0xa8: {  	s30 =	sadd.s32 $0x40, s21;
	[tilespmem:s2+$0x0] =	vst v4;
	v61 =	vadd.f32 v11, v3  }
0xa9: {  	s16 =	sor.u32 s19, s0;
	v62 =	vadd.f32 v10, v2;
	[tilespmem:s30+$0x0] =	vst v0  }
0xaa: {  	s0 =	sor.u32 s17, s0;
	v63 =	vadd.f32 v9, v7;
	[tilespmem:s16+$0x0] =	vst v61  }
0xab: {  	s31 =	sadd.s32 $0x40, s30;
	[tilespmem:s0+$0x0] =	vst v62  }
0xac: {  	[tilespmem:s31+$0x0] =	vst v63  }
0xad: {  	s15 =	sadd.s32 $0x1, s15;
	_ =	swait.ge [sflag:s11], $0x1380  }
0xae: {  	p0 =	sne.s32 s15, s8;
	[sflag:s11] =	ssyncset.done $0x0  }
.Ltmp2:
0xaf: {  	[sflag:s11] =	ssyncadd.s32 $0xFFFFEC80;
	(pc) =	sbr.rel @p0 .LBB2_1-.Ltmp2, $4  }
0xb0: {  	[hbm4b:s7+s3] =	stream.linear.scatter [tilespmem:s13], [sflag:$0x2], $0x1400, $0x38;
	[tilespmem:$0xC680] =	vst v63  }
0xb1: {  	_ =	swait.ge [sflag:s14], $0x1400  }
0xb2: {  	[sflag:s14] =	ssyncset.done $0x0  }
0xb3: {  	[sflag:s14] =	ssyncadd.s32 $0xFFFFEC00  }
0xb4: {  	_ =	sfence.sel $0x180000  }
0xb5: {  	[bflag:$0x0] =	sbarrier.arrive $0xFFFF  }
0xb6: {  	_ =	strace $0x90000047  }
0xb7: {  	s0 =	stileid.u32;
	[bflag:$0x2] =	sbarrier.arrive $0xFFFF  }
0xb8: {  	p0 =	sne.s32 s0, $0x0;
	s0 =	rddreg [dreg:$0x3]  }
0xb9: {  	s0 =	sadd.s32 @!p0 $0x100000, s0  }
0xba: {  	[sflag:s0] =	ssyncadd.tile.s32 @!p0 $0x1;
	_ =	shalt  }
.Lfunc_end2:
_tile_overlayer_lowered:
.L_overlay_start_2:
0xbb: {  	(tag) =	ssettag $0x2  }
0xbc: {  	s0 =	rddreg [dreg:$0x0];
	s2 =	stileid.u32  }
0xbd: {  	s1 =	rddreg [dreg:$0x1];
	p0 =	sne.s32 s2, $0x0  }
0xbe: {  	s3 =	rddreg [dreg:$0x2];
	[bflag:$0x3] =	sbarrier.arrive $0xFFFF;
	s2 =	simm.s32 @!p0 $0x1C02  }
0xbf: {  	[timem:s3], [sflag:s2] =	dma.local @!p0 [hbm:s0], s1  }
0xc0: {  	s0 =	simm.s32 @!p0 $0x2  }
0xc1: {  	_ =	swait.ge @!p0 [sflag:s0], s1  }
0xc2: {  	s1 =	ssub.s32 @!p0 $0x0, s1;
	[sflag:s0] =	ssyncset.done @!p0 $0x0  }
0xc3: {  	[sflag:s0] =	ssyncadd.s32 @!p0 s1  }
0xc4: {  	[bflag:$0x3] =	sbarrier.arrive $0xFFFF  }
0xc5: {  	_ =	shalt  }

</sc_bundles>
